<compile_context>
chip_gen: v7x
topology: tpu7x:2x2x1
jax: 0.10.2.dev20260603
libtpu: 0.0.44.dev20260713+nightly
codegen_flags: <defaults>
</compile_context>

<pallas_src>
import functools

import jax
import jax.numpy as jnp
from jax import lax
from jax.experimental import pallas as pl
from jax.experimental.pallas import tpu as pltpu
from jax.experimental.pallas import tpu_sc as plsc

B = 16384
H = 20
D = 64
NC = 2
NS = 16
NW = NC * NS
BPW = B // NW
IVL = 128
GPW = BPW // IVL
LANES = 16


def _body(idxt_hbm, table_hbm, out_hbm, idx_v, acc_v, sem):
    c = lax.axis_index("c")
    s = lax.axis_index("s")
    wid = s * NC + c
    b0 = wid * BPW
    pltpu.sync_copy(idxt_hbm.at[:, pl.ds(b0, BPW)], idx_v)

    zeros = jnp.zeros((LANES,), jnp.float32)

    def zero_row(r, carry):
        for j in range(D // LANES):
            acc_v[r, pl.ds(j * LANES, LANES)] = zeros
        return carry

    lax.fori_loop(0, BPW, zero_row, 0, unroll=False)

    def add_pass(l, carry):
        for j in range(GPW):
            pltpu.async_copy(
                table_hbm.at[idx_v.at[l, pl.ds(j * IVL, IVL)]],
                acc_v.at[pl.ds(j * IVL, IVL)],
                sem,
                add=True,
            )
        return carry

    lax.fori_loop(0, H, add_pass, 0, unroll=False)

    def drain_pass(l, carry):
        for j in range(GPW):
            pltpu.make_async_copy(
                table_hbm.at[idx_v.at[0, pl.ds(j * IVL, IVL)]],
                acc_v.at[pl.ds(j * IVL, IVL)],
                sem,
            ).wait()
        return carry

    lax.fori_loop(0, H, drain_pass, 0, unroll=False)

    def scale_row(r, carry):
        for j in range(D // LANES):
            acc_v[r, pl.ds(j * LANES, LANES)] = (
                acc_v[r, pl.ds(j * LANES, LANES)] * (1.0 / H))
        return carry

    lax.fori_loop(0, BPW, scale_row, 0, unroll=False)
    pltpu.sync_copy(acc_v, out_hbm.at[pl.ds(b0, BPW)])


_mesh = plsc.VectorSubcoreMesh(core_axis_name="c", subcore_axis_name="s")

_sc_call = functools.partial(
    pl.kernel,
    out_type=jax.ShapeDtypeStruct((B, D), jnp.float32),
    mesh=_mesh,
    scratch_types=[
        pltpu.VMEM((H, BPW), jnp.int32),
        pltpu.VMEM((BPW, D), jnp.float32),
        pltpu.SemaphoreType.DMA,
    ],
    compiler_params=pltpu.CompilerParams(
        use_tc_tiling_on_sc=False, needs_layout_passes=False),
)(_body)


def kernel(indices, table):
    return _sc_call(indices.astype(jnp.int32).T, table)

# --- scband reference (transcript-rebuilt; emitter-appended) ---
"""Pipeline reference for scband-playlist-aware-artist-encoder-33698313404846 (READ-ONLY COPY).

The authoritative reference and input builder live on the scoring server;
editing this copy changes nothing except your own understanding.
"""

import jax, jax.numpy as jnp
import numpy as np

VOCAB = 100000
EMBED_DIM = 64
BATCH = 16384
HIST = 20


def setup_inputs(seed: int = 0) -> dict:
    key = jax.random.key(seed)
    k1, k2 = jax.random.split(key)
    indices = jax.random.randint(k1, (BATCH, HIST), 0, VOCAB, dtype=jnp.int64 if jax.config.jax_enable_x64 else jnp.int32)
    table = jax.random.normal(k2, (VOCAB, EMBED_DIM), dtype=jnp.float32)
    return {"indices": indices, "table": table}


def reference(indices, table):
    # Embedding lookup per artist id, then mean-pool over the artists of each track
    # (mirrors torch.mean(torch.stack(track_emb), dim=0) per batch element).
    emb = jnp.take(table, indices, axis=0)  # [B, L, D]
    return jnp.mean(emb, axis=1)            # [B, D]

if __name__ == "__main__":
    import jax
    _d = setup_inputs()
    print(jax.jit(kernel)(*tuple(_d.values())))

</pallas_src>

<mosaic_0001>
#map = affine_map<(d0, d1) -> (0, 0)>
module attributes {stable_mosaic.version = 14 : i64} {
  func.func @_body(%arg0: i32, %arg1: i32, %arg2: memref<20x16384xi32, #tpu.memory_space<hbm>>, %arg3: memref<100000x64xf32, #tpu.memory_space<hbm>>, %arg4: memref<16384x64xf32, #tpu.memory_space<hbm>>, %arg5: memref<20x512xi32, #tpu.memory_space<vmem>>, %arg6: memref<512x64xf32, #tpu.memory_space<vmem>>, %arg7: memref<!tpu.dma_semaphore, #tpu.memory_space<semaphore_mem>>) attributes {dimension_semantics = [#tpu.dimension_semantics<core_parallel>, #tpu.dimension_semantics<subcore_parallel>], iteration_bounds = array<i64: 2, 16>, scalar_prefetch = 0 : i64, scratch_operands = 3 : i64, tpu.core_type = #tpu.core_type<sc_vector_subcore>, window_params = [{transform_indices = #map}, {transform_indices = #map}, {transform_indices = #map}]} {
    %mul3A = arith.constant 2 : i32
    %mul3A_0 = arith.muli %arg1, %mul3A : i32
    %add3A = arith.addi %mul3A_0, %arg0 : i32
    %mul3A_1 = arith.constant 512 : i32
    %mul3A_2 = arith.muli %add3A, %mul3A_1 : i32
    "tpu.region"() ({
      %run_scoped3A = tpu.sem_alloc : memref<!tpu.dma_semaphore, #tpu.memory_space<semaphore_mem>>
      %dma_start3A = arith.constant 0 : i32
      %dma_start3A_27 = tpu.memref_slice %arg2[%dma_start3A, %mul3A_2] : memref<20x16384xi32, #tpu.memory_space<hbm>> -> memref<20x512xi32, #tpu.memory_space<hbm>>
      %dma_start3A_28 = arith.constant 0 : i32
      %dma_start3A_29 = tpu.memref_slice %arg2[%dma_start3A_28, %mul3A_2] : memref<20x16384xi32, #tpu.memory_space<hbm>> -> memref<20x512xi32, #tpu.memory_space<hbm>>
      tpu.enqueue_dma source(%dma_start3A_29 : memref<20x512xi32, #tpu.memory_space<hbm>>) target(%arg5 : memref<20x512xi32, #tpu.memory_space<vmem>>) target_semaphore(%run_scoped3A : memref<!tpu.dma_semaphore, #tpu.memory_space<semaphore_mem>>)
      %dma_wait3A = arith.constant 0 : i32
      %dma_wait3A_30 = tpu.memref_slice %arg2[%dma_wait3A, %mul3A_2] : memref<20x16384xi32, #tpu.memory_space<hbm>> -> memref<20x512xi32, #tpu.memory_space<hbm>>
      %dma_wait3A_31 = arith.constant 0 : i32
      %dma_wait3A_32 = tpu.memref_slice %arg2[%dma_wait3A_31, %mul3A_2] : memref<20x16384xi32, #tpu.memory_space<hbm>> -> memref<20x512xi32, #tpu.memory_space<hbm>>
      tpu.wait_dma2 semaphore(%run_scoped3A : memref<!tpu.dma_semaphore, #tpu.memory_space<semaphore_mem>>) src(%dma_wait3A_32 : memref<20x512xi32, #tpu.memory_space<hbm>>) dst(%arg5 : memref<20x512xi32, #tpu.memory_space<vmem>>)
      tpu.yield
    }) : () -> ()
    %broadcast_in_dim3A = arith.constant 0.000000e+00 : f32
    %broadcast_in_dim3A_3 = vector.broadcast %broadcast_in_dim3A : f32 to vector<16xf32>
    %scan3A = arith.constant 0 : i32
    %scan3A_4 = arith.constant 0 : i32
    %scan3A_5 = arith.constant 512 : i32
    %scan3A_6 = arith.addi %scan3A_4, %scan3A_5 : i32
    %scan3A_7 = arith.constant 1 : i32
    scf.for %scan3A_27 = %scan3A_4 to %scan3A_6 step %scan3A_7  : i32 {
      %swap3A = arith.index_cast %scan3A_27 : i32 to index
      %swap3A_28 = arith.constant 0 : index
      %swap3A_29 = tpu.vector_load %arg6[%swap3A, %swap3A_28] {strides = array<i32>} : memref<512x64xf32, #tpu.memory_space<vmem>>, vector<16xf32>,
      tpu.vector_store %arg6[%swap3A, %swap3A_28], %broadcast_in_dim3A_3 {strides = array<i32>} : memref<512x64xf32, #tpu.memory_space<vmem>>, vector<16xf32>,
      %swap3A_30 = arith.index_cast %scan3A_27 : i32 to index
      %swap3A_31 = arith.constant 16 : index
      %swap3A_32 = tpu.vector_load %arg6[%swap3A_30, %swap3A_31] {strides = array<i32>} : memref<512x64xf32, #tpu.memory_space<vmem>>, vector<16xf32>,
      tpu.vector_store %arg6[%swap3A_30, %swap3A_31], %broadcast_in_dim3A_3 {strides = array<i32>} : memref<512x64xf32, #tpu.memory_space<vmem>>, vector<16xf32>,
      %swap3A_33 = arith.index_cast %scan3A_27 : i32 to index
      %swap3A_34 = arith.constant 32 : index
      %swap3A_35 = tpu.vector_load %arg6[%swap3A_33, %swap3A_34] {strides = array<i32>} : memref<512x64xf32, #tpu.memory_space<vmem>>, vector<16xf32>,
      tpu.vector_store %arg6[%swap3A_33, %swap3A_34], %broadcast_in_dim3A_3 {strides = array<i32>} : memref<512x64xf32, #tpu.memory_space<vmem>>, vector<16xf32>,
      %swap3A_36 = arith.index_cast %scan3A_27 : i32 to index
      %swap3A_37 = arith.constant 48 : index
      %swap3A_38 = tpu.vector_load %arg6[%swap3A_36, %swap3A_37] {strides = array<i32>} : memref<512x64xf32, #tpu.memory_space<vmem>>, vector<16xf32>,
      tpu.vector_store %arg6[%swap3A_36, %swap3A_37], %broadcast_in_dim3A_3 {strides = array<i32>} : memref<512x64xf32, #tpu.memory_space<vmem>>, vector<16xf32>,
    }
    %scan3A_8 = arith.constant 512 : i32
    %scan3A_9 = arith.constant 0 : i32
    %scan3A_10 = arith.constant 0 : i32
    %scan3A_11 = arith.constant 20 : i32
    %scan3A_12 = arith.addi %scan3A_10, %scan3A_11 : i32
    %scan3A_13 = arith.constant 1 : i32
    scf.for %scan3A_27 = %scan3A_10 to %scan3A_12 step %scan3A_13  : i32 {
      %dma_start3A = arith.constant 0 : i32
      %dma_start3A_28 = arith.constant 0 : i32
      %dma_start3A_29 = tpu.memref_slice %arg6[%dma_start3A, %dma_start3A_28] : memref<512x64xf32, #tpu.memory_space<vmem>> -> memref<128x64xf32, #tpu.memory_space<vmem>>
      %dma_start3A_30 = arith.constant 0 : i32
      %dma_start3A_31 = tpu.memref_slice %arg5[%scan3A_27, %dma_start3A_30] : memref<20x512xi32, #tpu.memory_space<vmem>> -> memref<1x128xi32, #tpu.memory_space<vmem>>
      %dma_start3A_32 = tpu.memref_squeeze %dma_start3A_31 : memref<1x128xi32, #tpu.memory_space<vmem>> -> memref<128xi32, #tpu.memory_space<vmem>>
      %dma_start3A_33 = arith.constant 0 : i32
      %dma_start3A_34 = arith.constant 0 : i32
      %dma_start3A_35 = tpu.memref_slice %arg3[%dma_start3A_33, %dma_start3A_34] : memref<100000x64xf32, #tpu.memory_space<hbm>> -> memref<100000x64xf32, #tpu.memory_space<hbm>>
      tpu.enqueue_indirect_dma source(%dma_start3A_35 : memref<100000x64xf32, #tpu.memory_space<hbm>>) target(%dma_start3A_29 : memref<128x64xf32, #tpu.memory_space<vmem>>) offsets(%dma_start3A_32 : memref<128xi32, #tpu.memory_space<vmem>>) semaphore(%arg7 : memref<!tpu.dma_semaphore, #tpu.memory_space<semaphore_mem>>) {add = true}
      %dma_start3A_36 = arith.constant 128 : i32
      %dma_start3A_37 = arith.constant 0 : i32
      %dma_start3A_38 = tpu.memref_slice %arg6[%dma_start3A_36, %dma_start3A_37] : memref<512x64xf32, #tpu.memory_space<vmem>> -> memref<128x64xf32, #tpu.memory_space<vmem>>
      %dma_start3A_39 = arith.constant 128 : i32
      %dma_start3A_40 = tpu.memref_slice %arg5[%scan3A_27, %dma_start3A_39] : memref<20x512xi32, #tpu.memory_space<vmem>> -> memref<1x128xi32, #tpu.memory_space<vmem>>
      %dma_start3A_41 = tpu.memref_squeeze %dma_start3A_40 : memref<1x128xi32, #tpu.memory_space<vmem>> -> memref<128xi32, #tpu.memory_space<vmem>>
      %dma_start3A_42 = arith.constant 0 : i32
      %dma_start3A_43 = arith.constant 0 : i32
      %dma_start3A_44 = tpu.memref_slice %arg3[%dma_start3A_42, %dma_start3A_43] : memref<100000x64xf32, #tpu.memory_space<hbm>> -> memref<100000x64xf32, #tpu.memory_space<hbm>>
      tpu.enqueue_indirect_dma source(%dma_start3A_44 : memref<100000x64xf32, #tpu.memory_space<hbm>>) target(%dma_start3A_38 : memref<128x64xf32, #tpu.memory_space<vmem>>) offsets(%dma_start3A_41 : memref<128xi32, #tpu.memory_space<vmem>>) semaphore(%arg7 : memref<!tpu.dma_semaphore, #tpu.memory_space<semaphore_mem>>) {add = true}
      %dma_start3A_45 = arith.constant 256 : i32
      %dma_start3A_46 = arith.constant 0 : i32
      %dma_start3A_47 = tpu.memref_slice %arg6[%dma_start3A_45, %dma_start3A_46] : memref<512x64xf32, #tpu.memory_space<vmem>> -> memref<128x64xf32, #tpu.memory_space<vmem>>
      %dma_start3A_48 = arith.constant 256 : i32
      %dma_start3A_49 = tpu.memref_slice %arg5[%scan3A_27, %dma_start3A_48] : memref<20x512xi32, #tpu.memory_space<vmem>> -> memref<1x128xi32, #tpu.memory_space<vmem>>
      %dma_start3A_50 = tpu.memref_squeeze %dma_start3A_49 : memref<1x128xi32, #tpu.memory_space<vmem>> -> memref<128xi32, #tpu.memory_space<vmem>>
      %dma_start3A_51 = arith.constant 0 : i32
      %dma_start3A_52 = arith.constant 0 : i32
      %dma_start3A_53 = tpu.memref_slice %arg3[%dma_start3A_51, %dma_start3A_52] : memref<100000x64xf32, #tpu.memory_space<hbm>> -> memref<100000x64xf32, #tpu.memory_space<hbm>>
      tpu.enqueue_indirect_dma source(%dma_start3A_53 : memref<100000x64xf32, #tpu.memory_space<hbm>>) target(%dma_start3A_47 : memref<128x64xf32, #tpu.memory_space<vmem>>) offsets(%dma_start3A_50 : memref<128xi32, #tpu.memory_space<vmem>>) semaphore(%arg7 : memref<!tpu.dma_semaphore, #tpu.memory_space<semaphore_mem>>) {add = true}
      %dma_start3A_54 = arith.constant 384 : i32
      %dma_start3A_55 = arith.constant 0 : i32
      %dma_start3A_56 = tpu.memref_slice %arg6[%dma_start3A_54, %dma_start3A_55] : memref<512x64xf32, #tpu.memory_space<vmem>> -> memref<128x64xf32, #tpu.memory_space<vmem>>
      %dma_start3A_57 = arith.constant 384 : i32
      %dma_start3A_58 = tpu.memref_slice %arg5[%scan3A_27, %dma_start3A_57] : memref<20x512xi32, #tpu.memory_space<vmem>> -> memref<1x128xi32, #tpu.memory_space<vmem>>
      %dma_start3A_59 = tpu.memref_squeeze %dma_start3A_58 : memref<1x128xi32, #tpu.memory_space<vmem>> -> memref<128xi32, #tpu.memory_space<vmem>>
      %dma_start3A_60 = arith.constant 0 : i32
      %dma_start3A_61 = arith.constant 0 : i32
      %dma_start3A_62 = tpu.memref_slice %arg3[%dma_start3A_60, %dma_start3A_61] : memref<100000x64xf32, #tpu.memory_space<hbm>> -> memref<100000x64xf32, #tpu.memory_space<hbm>>
      tpu.enqueue_indirect_dma source(%dma_start3A_62 : memref<100000x64xf32, #tpu.memory_space<hbm>>) target(%dma_start3A_56 : memref<128x64xf32, #tpu.memory_space<vmem>>) offsets(%dma_start3A_59 : memref<128xi32, #tpu.memory_space<vmem>>) semaphore(%arg7 : memref<!tpu.dma_semaphore, #tpu.memory_space<semaphore_mem>>) {add = true}
    }
    %scan3A_14 = arith.constant 20 : i32
    %scan3A_15 = arith.constant 0 : i32
    %scan3A_16 = arith.constant 0 : i32
    %scan3A_17 = arith.constant 20 : i32
    %scan3A_18 = arith.addi %scan3A_16, %scan3A_17 : i32
    %scan3A_19 = arith.constant 1 : i32
    scf.for %scan3A_27 = %scan3A_16 to %scan3A_18 step %scan3A_19  : i32 {
      %dma_wait3A = arith.constant 0 : i32
      %dma_wait3A_28 = arith.constant 0 : i32
      %dma_wait3A_29 = arith.constant 0 : i32
      %dma_wait3A_30 = tpu.memref_slice %arg6[%dma_wait3A_28, %dma_wait3A_29] : memref<512x64xf32, #tpu.memory_space<vmem>> -> memref<128x64xf32, #tpu.memory_space<vmem>>
      %dma_wait3A_31 = arith.constant 0 : i32
      %dma_wait3A_32 = tpu.memref_slice %arg5[%dma_wait3A, %dma_wait3A_31] : memref<20x512xi32, #tpu.memory_space<vmem>> -> memref<1x128xi32, #tpu.memory_space<vmem>>
      %dma_wait3A_33 = tpu.memref_squeeze %dma_wait3A_32 : memref<1x128xi32, #tpu.memory_space<vmem>> -> memref<128xi32, #tpu.memory_space<vmem>>
      %dma_wait3A_34 = arith.constant 0 : i32
      %dma_wait3A_35 = arith.constant 0 : i32
      %dma_wait3A_36 = tpu.memref_slice %arg3[%dma_wait3A_34, %dma_wait3A_35] : memref<100000x64xf32, #tpu.memory_space<hbm>> -> memref<100000x64xf32, #tpu.memory_space<hbm>>
      tpu.wait_indirect_dma semaphore(%arg7 : memref<!tpu.dma_semaphore, #tpu.memory_space<semaphore_mem>>) src(%dma_wait3A_36 : memref<100000x64xf32, #tpu.memory_space<hbm>>) dst(%dma_wait3A_30 : memref<128x64xf32, #tpu.memory_space<vmem>>)
      %dma_wait3A_37 = arith.constant 0 : i32
      %dma_wait3A_38 = arith.constant 128 : i32
      %dma_wait3A_39 = arith.constant 0 : i32
      %dma_wait3A_40 = tpu.memref_slice %arg6[%dma_wait3A_38, %dma_wait3A_39] : memref<512x64xf32, #tpu.memory_space<vmem>> -> memref<128x64xf32, #tpu.memory_space<vmem>>
      %dma_wait3A_41 = arith.constant 128 : i32
      %dma_wait3A_42 = tpu.memref_slice %arg5[%dma_wait3A_37, %dma_wait3A_41] : memref<20x512xi32, #tpu.memory_space<vmem>> -> memref<1x128xi32, #tpu.memory_space<vmem>>
      %dma_wait3A_43 = tpu.memref_squeeze %dma_wait3A_42 : memref<1x128xi32, #tpu.memory_space<vmem>> -> memref<128xi32, #tpu.memory_space<vmem>>
      %dma_wait3A_44 = arith.constant 0 : i32
      %dma_wait3A_45 = arith.constant 0 : i32
      %dma_wait3A_46 = tpu.memref_slice %arg3[%dma_wait3A_44, %dma_wait3A_45] : memref<100000x64xf32, #tpu.memory_space<hbm>> -> memref<100000x64xf32, #tpu.memory_space<hbm>>
      tpu.wait_indirect_dma semaphore(%arg7 : memref<!tpu.dma_semaphore, #tpu.memory_space<semaphore_mem>>) src(%dma_wait3A_46 : memref<100000x64xf32, #tpu.memory_space<hbm>>) dst(%dma_wait3A_40 : memref<128x64xf32, #tpu.memory_space<vmem>>)
      %dma_wait3A_47 = arith.constant 0 : i32
      %dma_wait3A_48 = arith.constant 256 : i32
      %dma_wait3A_49 = arith.constant 0 : i32
      %dma_wait3A_50 = tpu.memref_slice %arg6[%dma_wait3A_48, %dma_wait3A_49] : memref<512x64xf32, #tpu.memory_space<vmem>> -> memref<128x64xf32, #tpu.memory_space<vmem>>
      %dma_wait3A_51 = arith.constant 256 : i32
      %dma_wait3A_52 = tpu.memref_slice %arg5[%dma_wait3A_47, %dma_wait3A_51] : memref<20x512xi32, #tpu.memory_space<vmem>> -> memref<1x128xi32, #tpu.memory_space<vmem>>
      %dma_wait3A_53 = tpu.memref_squeeze %dma_wait3A_52 : memref<1x128xi32, #tpu.memory_space<vmem>> -> memref<128xi32, #tpu.memory_space<vmem>>
      %dma_wait3A_54 = arith.constant 0 : i32
      %dma_wait3A_55 = arith.constant 0 : i32
      %dma_wait3A_56 = tpu.memref_slice %arg3[%dma_wait3A_54, %dma_wait3A_55] : memref<100000x64xf32, #tpu.memory_space<hbm>> -> memref<100000x64xf32, #tpu.memory_space<hbm>>
      tpu.wait_indirect_dma semaphore(%arg7 : memref<!tpu.dma_semaphore, #tpu.memory_space<semaphore_mem>>) src(%dma_wait3A_56 : memref<100000x64xf32, #tpu.memory_space<hbm>>) dst(%dma_wait3A_50 : memref<128x64xf32, #tpu.memory_space<vmem>>)
      %dma_wait3A_57 = arith.constant 0 : i32
      %dma_wait3A_58 = arith.constant 384 : i32
      %dma_wait3A_59 = arith.constant 0 : i32
      %dma_wait3A_60 = tpu.memref_slice %arg6[%dma_wait3A_58, %dma_wait3A_59] : memref<512x64xf32, #tpu.memory_space<vmem>> -> memref<128x64xf32, #tpu.memory_space<vmem>>
      %dma_wait3A_61 = arith.constant 384 : i32
      %dma_wait3A_62 = tpu.memref_slice %arg5[%dma_wait3A_57, %dma_wait3A_61] : memref<20x512xi32, #tpu.memory_space<vmem>> -> memref<1x128xi32, #tpu.memory_space<vmem>>
      %dma_wait3A_63 = tpu.memref_squeeze %dma_wait3A_62 : memref<1x128xi32, #tpu.memory_space<vmem>> -> memref<128xi32, #tpu.memory_space<vmem>>
      %dma_wait3A_64 = arith.constant 0 : i32
      %dma_wait3A_65 = arith.constant 0 : i32
      %dma_wait3A_66 = tpu.memref_slice %arg3[%dma_wait3A_64, %dma_wait3A_65] : memref<100000x64xf32, #tpu.memory_space<hbm>> -> memref<100000x64xf32, #tpu.memory_space<hbm>>
      tpu.wait_indirect_dma semaphore(%arg7 : memref<!tpu.dma_semaphore, #tpu.memory_space<semaphore_mem>>) src(%dma_wait3A_66 : memref<100000x64xf32, #tpu.memory_space<hbm>>) dst(%dma_wait3A_60 : memref<128x64xf32, #tpu.memory_space<vmem>>)
    }
    %scan3A_20 = arith.constant 20 : i32
    %scan3A_21 = arith.constant 0 : i32
    %scan3A_22 = arith.constant 0 : i32
    %scan3A_23 = arith.constant 512 : i32
    %scan3A_24 = arith.addi %scan3A_22, %scan3A_23 : i32
    %scan3A_25 = arith.constant 1 : i32
    scf.for %scan3A_27 = %scan3A_22 to %scan3A_24 step %scan3A_25  : i32 {
      %get3A = arith.index_cast %scan3A_27 : i32 to index
      %get3A_28 = arith.constant 0 : index
      %get3A_29 = tpu.vector_load %arg6[%get3A, %get3A_28] {strides = array<i32>} : memref<512x64xf32, #tpu.memory_space<vmem>>, vector<16xf32>,
      %mul3A_30 = arith.constant 5.000000e-02 : f32
      %mul3A_31 = vector.broadcast %mul3A_30 : f32 to vector<16xf32>
      %mul3A_32 = arith.mulf %get3A_29, %mul3A_31 : vector<16xf32>
      %swap3A = arith.index_cast %scan3A_27 : i32 to index
      %swap3A_33 = arith.constant 0 : index
      %swap3A_34 = tpu.vector_load %arg6[%swap3A, %swap3A_33] {strides = array<i32>} : memref<512x64xf32, #tpu.memory_space<vmem>>, vector<16xf32>,
      tpu.vector_store %arg6[%swap3A, %swap3A_33], %mul3A_32 {strides = array<i32>} : memref<512x64xf32, #tpu.memory_space<vmem>>, vector<16xf32>,
      %get3A_35 = arith.index_cast %scan3A_27 : i32 to index
      %get3A_36 = arith.constant 16 : index
      %get3A_37 = tpu.vector_load %arg6[%get3A_35, %get3A_36] {strides = array<i32>} : memref<512x64xf32, #tpu.memory_space<vmem>>, vector<16xf32>,
      %mul3A_38 = arith.constant 5.000000e-02 : f32
      %mul3A_39 = vector.broadcast %mul3A_38 : f32 to vector<16xf32>
      %mul3A_40 = arith.mulf %get3A_37, %mul3A_39 : vector<16xf32>
      %swap3A_41 = arith.index_cast %scan3A_27 : i32 to index
      %swap3A_42 = arith.constant 16 : index
      %swap3A_43 = tpu.vector_load %arg6[%swap3A_41, %swap3A_42] {strides = array<i32>} : memref<512x64xf32, #tpu.memory_space<vmem>>, vector<16xf32>,
      tpu.vector_store %arg6[%swap3A_41, %swap3A_42], %mul3A_40 {strides = array<i32>} : memref<512x64xf32, #tpu.memory_space<vmem>>, vector<16xf32>,
      %get3A_44 = arith.index_cast %scan3A_27 : i32 to index
      %get3A_45 = arith.constant 32 : index
      %get3A_46 = tpu.vector_load %arg6[%get3A_44, %get3A_45] {strides = array<i32>} : memref<512x64xf32, #tpu.memory_space<vmem>>, vector<16xf32>,
      %mul3A_47 = arith.constant 5.000000e-02 : f32
      %mul3A_48 = vector.broadcast %mul3A_47 : f32 to vector<16xf32>
      %mul3A_49 = arith.mulf %get3A_46, %mul3A_48 : vector<16xf32>
      %swap3A_50 = arith.index_cast %scan3A_27 : i32 to index
      %swap3A_51 = arith.constant 32 : index
      %swap3A_52 = tpu.vector_load %arg6[%swap3A_50, %swap3A_51] {strides = array<i32>} : memref<512x64xf32, #tpu.memory_space<vmem>>, vector<16xf32>,
      tpu.vector_store %arg6[%swap3A_50, %swap3A_51], %mul3A_49 {strides = array<i32>} : memref<512x64xf32, #tpu.memory_space<vmem>>, vector<16xf32>,
      %get3A_53 = arith.index_cast %scan3A_27 : i32 to index
      %get3A_54 = arith.constant 48 : index
      %get3A_55 = tpu.vector_load %arg6[%get3A_53, %get3A_54] {strides = array<i32>} : memref<512x64xf32, #tpu.memory_space<vmem>>, vector<16xf32>,
      %mul3A_56 = arith.constant 5.000000e-02 : f32
      %mul3A_57 = vector.broadcast %mul3A_56 : f32 to vector<16xf32>
      %mul3A_58 = arith.mulf %get3A_55, %mul3A_57 : vector<16xf32>
      %swap3A_59 = arith.index_cast %scan3A_27 : i32 to index
      %swap3A_60 = arith.constant 48 : index
      %swap3A_61 = tpu.vector_load %arg6[%swap3A_59, %swap3A_60] {strides = array<i32>} : memref<512x64xf32, #tpu.memory_space<vmem>>, vector<16xf32>,
      tpu.vector_store %arg6[%swap3A_59, %swap3A_60], %mul3A_58 {strides = array<i32>} : memref<512x64xf32, #tpu.memory_space<vmem>>, vector<16xf32>,
    }
    %scan3A_26 = arith.constant 512 : i32
    "tpu.region"() ({
      %run_scoped3A = tpu.sem_alloc : memref<!tpu.dma_semaphore, #tpu.memory_space<semaphore_mem>>
      %dma_start3A = arith.constant 0 : i32
      %dma_start3A_27 = tpu.memref_slice %arg4[%mul3A_2, %dma_start3A] : memref<16384x64xf32, #tpu.memory_space<hbm>> -> memref<512x64xf32, #tpu.memory_space<hbm>>
      %dma_start3A_28 = arith.constant 0 : i32
      %dma_start3A_29 = tpu.memref_slice %arg4[%mul3A_2, %dma_start3A_28] : memref<16384x64xf32, #tpu.memory_space<hbm>> -> memref<512x64xf32, #tpu.memory_space<hbm>>
      tpu.enqueue_dma source(%arg6 : memref<512x64xf32, #tpu.memory_space<vmem>>) target(%dma_start3A_29 : memref<512x64xf32, #tpu.memory_space<hbm>>) target_semaphore(%run_scoped3A : memref<!tpu.dma_semaphore, #tpu.memory_space<semaphore_mem>>)
      %dma_wait3A = arith.constant 0 : i32
      %dma_wait3A_30 = tpu.memref_slice %arg4[%mul3A_2, %dma_wait3A] : memref<16384x64xf32, #tpu.memory_space<hbm>> -> memref<512x64xf32, #tpu.memory_space<hbm>>
      %dma_wait3A_31 = arith.constant 0 : i32
      %dma_wait3A_32 = tpu.memref_slice %arg4[%mul3A_2, %dma_wait3A_31] : memref<16384x64xf32, #tpu.memory_space<hbm>> -> memref<512x64xf32, #tpu.memory_space<hbm>>
      tpu.wait_dma2 semaphore(%run_scoped3A : memref<!tpu.dma_semaphore, #tpu.memory_space<semaphore_mem>>) src(%arg6 : memref<512x64xf32, #tpu.memory_space<vmem>>) dst(%dma_wait3A_32 : memref<512x64xf32, #tpu.memory_space<hbm>>)
      tpu.yield
    }) : () -> ()
    return
  }
}

</mosaic_0001>

<sc_bundles>
// kernel: kernel.3.cloned.1.call-start
scs
__scs_entry_jumppad:
0x0: {  	(pc) =	sbr.rel $0x88, $3  }
0x1: {  	(tag) =	ssettag $0x0;
	lr =	simm.s32 $0x1  }
0x2: {  	[smem:$0x3F9F] =	sst lr;
	_ =	strace $0xD0000000  }
0x3: {  	_ = 	snop  }
0x4: {  	_ = 	snop  }
0x5: {  	_ = 	snop  }
0x6: {  	_ = 	snop  }
0x7: {  	_ = 	snop  }
__scs_overlays_trampoline_lowered:
0x8: {  	[smem:$0x3FAE] =	sst s0  }
0x9: {  	[smem:$0x3FAF] =	sst s1  }
0xa: {  	[smem:$0x3FB0] =	sst s2  }
0xb: {  	[smem:$0x3FB1] =	sst s3  }
0xc: {  	[smem:$0x3FB2] =	sst s4  }
0xd: {  	[smem:$0x3FB3] =	sst s5  }
0xe: {  	[smem:$0x3FB4] =	sst s6  }
0xf: {  	[smem:$0x3FB5] =	sst s7  }
0x10: {  	[smem:$0x3FB6] =	sst s8  }
0x11: {  	[smem:$0x3FB7] =	sst s9;
	s0 =	simm.s32 @!p0 $0x0  }
0x12: {  	s1 =	sld [smem:$0x3F9D];
	s0 =	simm.s32 @p0 $0x1  }
0x13: {  	[smem:$0x3FB8] =	sst s0;
	s0 =	simm.s32 @!p1 $0x0  }
0x14: {  	s2 =	sld [smem:$0x3F9C];
	s0 =	simm.s32 @p1 $0x1  }
0x15: {  	[smem:$0x3FB9] =	sst s0;
	s0 =	simm.s32 @!p2 $0x0  }
0x16: {  	s3 =	sld [smem:$0x3FDB];
	s0 =	simm.s32 @p2 $0x1  }
0x17: {  	s4 =	simm.s32 $0x1BF5;
	[smem:$0x3FBB] =	sst s0  }
0x18: {  	s0 =	sld [smem:$0x3F9E];
	_ =	swait.ge [sflag:s4], $0x0  }
0x19: {  	s7 =	sld [smem:$0x3F9F]  }
0x1a: {  	s8 =	sadd.s32 $0xFFFFE003, lr  }
0x1b: {  	s9 =	sadd.s32 $0xFFFFFEF7, lr;
	s5 =	simm.s32 $0xFFFFFFFF;
	p2 =	slt.u32 s8, $0xFFFFF086  }
0x1c: {  	p1 =	slt.u32 s9, $0xF7A;
	s5 =	simm.s32 @!p2 $0x0  }
0x1d: {  	s5 =	simm.s32 @p1 $0x1;
	p0 =	seq.s32 s7, s2  }
0x1e: {  	s7 =	smul.u32 @!p0 $0xF7A, s2;
	p2 =	seq.s32 @!p0 s5, $0x0  }
0x1f: {  	s9 =	smul.u32 $0xF7A, s1;
	s8 =	simm.s32 @!p0 $0x1BF5;
	p2 =	por !p2, p0  }
0x20: {  	[sflag:s8] =	ssyncset.s32 @!p0 $0xFFFFF086;
	s6 =	sadd.s32 @!p0 s3, s7;
	s7 =	simm.s32 @!p0 $0x108  }
0x21: {  	s3 =	sadd.s32 s3, s9;
	s6 =	sadd.s32 @!p0 $0x88, s6;
	s7 =	simm.s32 @p2 $0x1082  }
0x22: {  	[simem:s7], [sflag:s8] =	dma.local @!p0 [hbm:s6], $0xF7A  }
0x23: {  	s9 =	sor.u32 $0xD0000000, s2;
	s6 =	simm.s32 $0x108;
	_ =	swait.ge @!p0 [sflag:s8], $0x0  }
0x24: {  	s3 =	sadd.s32 $0x88, s3;
	s6 =	simm.s32 @!p1 $0x1082;
	[sflag:s4] =	ssyncset.s32 $0xFFFFF086  }
0x25: {  	[simem:s6], [sflag:s4] =	dma.local [hbm:s3], $0xF7A  }
0x26: {  	[smem:$0x3F9F] =	sst s1;
	(tag) =	ssettag s2;
	_ =	strace s9  }
0x27: {  	s1 =	sld [smem:$0x3FAF]  }
0x28: {  	s2 =	sld [smem:$0x3FB0]  }
0x29: {  	s4 =	sld [smem:$0x3FB2]  }
0x2a: {  	p0 =	seq.s32 s5, $0x0;
	s5 =	sld [smem:$0x3FB3]  }
0x2b: {  	s6 =	sld [smem:$0x3FB4]  }
0x2c: {  	s7 =	sld [smem:$0x3FB5]  }
0x2d: {  	s3 =	simm.s32 $0x108;
	s8 =	sld [smem:$0x3FB6]  }
0x2e: {  	s3 =	simm.s32 @!p0 $0x1082;
	s9 =	sld [smem:$0x3FB7]  }
0x2f: {  	lr =	sadd.s32 s0, s3;
	s0 =	sld [smem:$0x3FAE]  }
0x30: {  	s3 =	sld [smem:$0x3FB1]  }
0x31: {  	[smem:$0x3FBA] =	sst s10  }
0x32: {  	s10 =	sld [smem:$0x3FB8];
	_ =	sdelay $0x3  }
0x33: {  	p0 =	seq.s32 s10, $0x1;
	s10 =	sld [smem:$0x3FBA];
	_ =	sdelay $0x3  }
0x34: {  	[smem:$0x3FBA] =	sst s10  }
0x35: {  	s10 =	sld [smem:$0x3FB9];
	_ =	sdelay $0x3  }
0x36: {  	p1 =	seq.s32 s10, $0x1;
	s10 =	sld [smem:$0x3FBA];
	_ =	sdelay $0x3  }
0x37: {  	[smem:$0x3FBA] =	sst s10  }
0x38: {  	s10 =	sld [smem:$0x3FBB]  }
0x39: {  	_ = 	snop;
	(pc) =	sbr.ind lr, $3  }
0x3a: {  	_ = 	snop  }
0x3b: {  	_ = 	snop  }
0x3c: {  	p2 =	seq.s32 s10, $0x1;
	s10 =	sld [smem:$0x3FBA]  }
0x3d: {  	_ =	shalt  }
0x3e: {  	_ =	shalt  }
0x3f: {  	_ =	shalt  }
0x40: {  	_ =	shalt  }
0x41: {  	_ =	shalt  }
0x42: {  	_ =	shalt  }
0x43: {  	_ =	shalt  }
0x44: {  	_ =	shalt  }
0x45: {  	_ =	shalt  }
0x46: {  	_ =	shalt  }
0x47: {  	_ =	shalt  }
0x48: {  	_ =	shalt  }
0x49: {  	_ =	shalt  }
0x4a: {  	_ =	shalt  }
0x4b: {  	_ =	shalt  }
0x4c: {  	_ =	shalt  }
0x4d: {  	_ =	shalt  }
0x4e: {  	_ =	shalt  }
0x4f: {  	_ =	shalt  }
0x50: {  	_ =	shalt  }
0x51: {  	_ =	shalt  }
0x52: {  	_ =	shalt  }
0x53: {  	_ =	shalt  }
0x54: {  	_ =	shalt  }
0x55: {  	_ =	shalt  }
0x56: {  	_ =	shalt  }
0x57: {  	_ =	shalt  }
0x58: {  	_ =	shalt  }
0x59: {  	_ =	shalt  }
0x5a: {  	_ =	shalt  }
0x5b: {  	_ =	shalt  }
0x5c: {  	_ =	shalt  }
0x5d: {  	_ =	shalt  }
0x5e: {  	_ =	shalt  }
0x5f: {  	_ =	shalt  }
0x60: {  	_ =	shalt  }
0x61: {  	_ =	shalt  }
0x62: {  	_ =	shalt  }
0x63: {  	_ =	shalt  }
0x64: {  	_ =	shalt  }
0x65: {  	_ =	shalt  }
0x66: {  	_ =	shalt  }
0x67: {  	_ =	shalt  }
0x68: {  	_ =	shalt  }
0x69: {  	_ =	shalt  }
0x6a: {  	_ =	shalt  }
0x6b: {  	_ =	shalt  }
0x6c: {  	_ =	shalt  }
0x6d: {  	_ =	shalt  }
0x6e: {  	_ =	shalt  }
0x6f: {  	_ =	shalt  }
0x70: {  	_ =	shalt  }
0x71: {  	_ =	shalt  }
0x72: {  	_ =	shalt  }
0x73: {  	_ =	shalt  }
0x74: {  	_ =	shalt  }
0x75: {  	_ =	shalt  }
0x76: {  	_ =	shalt  }
0x77: {  	_ =	shalt  }
0x78: {  	_ =	shalt  }
0x79: {  	_ =	shalt  }
0x7a: {  	_ =	shalt  }
0x7b: {  	_ =	shalt  }
0x7c: {  	_ =	shalt  }
0x7d: {  	_ =	shalt  }
0x7e: {  	_ =	shalt  }
0x7f: {  	_ =	shalt  }
0x80: {  	_ =	shalt  }
0x81: {  	_ =	shalt  }
0x82: {  	_ =	shalt  }
0x83: {  	_ =	shalt  }
0x84: {  	_ =	shalt  }
0x85: {  	_ =	shalt  }
0x86: {  	_ =	shalt  }
0x87: {  	_ =	shalt  }
.Lfunc_end0:
.L_simem_size_0:
called_computation_lowered:
.L_overlay_start_0:
0x88: {  	s2 =	sld [smem:$0x3FD9]  }
0x89: {  	s3 =	sld [smem:$0x3FFE];
	_ =	sdelay $0x1  }
0x8a: {  	s1 =	srdreg.scid  }
0x8b: {  	s0 =	sand.u32 $0x1, s1  }
0x8c: {  	s17 =	sshll.u32 s0, $0xA;
	s2 =	sadd.s32 s3, s2  }
0x8d: {  	s2 =	sadd.s32 s2, s17  }
0x8e: {  	[smem:$0x3FC6] =	sst s2  }
0x8f: {  	_ = 	snop  }
0x90: {  	s2 =	sld [smem:$0x3FD0];
	(tm) =	ssettm $0x1  }
0x91: {  	s18 =	sld [smem:$0x3FFB];
	_ =	sdelay $0x3  }
0x92: {  	_ =	strace s18  }
0x93: {  	s3 =	sld [smem:$0x3FFC];
	_ =	sdelay $0x3  }
0x94: {  	_ =	strace s3  }
0x95: {  	s3 =	sld [smem:$0x3FFD];
	_ =	sdelay $0x3  }
0x96: {  	_ =	strace s3  }
0x97: {  	_ =	strace $0x8FFFFFFF  }
0x98: {  	s19 =	sld [smem:$0x3FDB];
	_ =	sdelay $0x1  }
0x99: {  	s4 =	simm.s32 $_scs_section_size  }
0x9a: {  	s5 =	simm.s32 $_size__tile_overlayer_lowered;
	s6 =	simm.s32 $_tile_overlayer_lowered  }
0x9b: {  	s22 =	simm.s32 $0x1BFF;
	s21 =	sshll.u32 s6, $0x1;
	s3 =	sadd.s32 s4, s19  }
0x9c: {  	s7 =	simm.s32 $0x0;
	s20 =	sshll.u32 s5, $0x1;
	s5 =	sadd.s32 s21, s3  }
0x9d: {  	[timem:s7], [sflag:s22] =	dma.local [hbm:s5], s20  }
0x9e: {  	_ =	swait.ge [sflag:s22], s20  }
0x9f: {  	s4 =	ssub.s32 $0x0, s20;
	[sflag:s22] =	ssyncset.done $0x0  }
0xa0: {  	[sflag:s22] =	ssyncadd.s32 s4;
	_ =	sdelay $0x1  }
0xa1: {  	s23 =	simm.s32 $0x1B8B  }
0xa2: {  	_ =	swait.ge [sflag:s23], $0x1  }
0xa3: {  	[sflag:s23] =	ssyncset.done $0x0  }
0xa4: {  	s25 =	simm.s32 $0x1B8E;
	s24 =	sld [smem:$0x3FFE];
	[sflag:s23] =	ssyncadd.s32 $0xFFFFFFFF  }
0xa5: {  	s26 =	simm.s32 $execute0_lowered;
	[smem:$0x3FD2] =	sst s25  }
0xa6: {  	s5 =	sshll.u32 s26, $0x1;
	_ =	strace $0x80000046;
	[dreg:$0x1] =	wrdreg $0xFFFFFFFF  }
0xa7: {  	s28 =	simm.s32 $_size_execute0_lowered;
	s3 =	sadd.s32 s3, s5;
	[dreg:$0x0] =	wrdreg $0x0  }
0xa8: {  	s5 =	sshll.u32 s28, $0x1;
	[dreg:$0x2] =	wrdreg s3  }
0xa9: {  	[dreg:$0x3] =	wrdreg s5  }
0xaa: {  	[dreg:$0x4] =	wrdreg $0xC0  }
0xab: {  	_ =	task [dreg:s7], $0x5FFFF  }
0xac: {  	[dreg:$0x1] =	wrdreg $0xFFFFFFFF  }
0xad: {  	[dreg:$0x0] =	wrdreg $0x60  }
0xae: {  	[dreg:$0x2] =	wrdreg s24  }
0xaf: {  	[dreg:$0x3] =	wrdreg s2  }
0xb0: {  	[dreg:$0x4] =	wrdreg $0x9  }
0xb1: {  	_ =	task.clear_ibuf [dreg:s7], $0x5FFFF;
	_ =	strace $0x90000046  }
0xb2: {  	s29 =	simm.s32 $0x9;
	_ =	strace $0x80000048  }
0xb3: {  	_ =	swait.ge [sflag:s29], $0x1  }
0xb4: {  	[sflag:s29] =	ssyncadd.s32 $0xFFFFFFFF  }
0xb5: {  	_ =	strace $0x90000048  }
0xb6: {  	_ =	sfence  }
0xb7: {  	s30 =	sld [smem:$0x0];
	_ =	sdelay $0x2  }
0xb8: {  	s31 =	sshll.u32 s1, $0xD;
	s1 =	sshrl.u32 s1, $0x2  }
0xb9: {  	s3 =	sand.u32 $0x4000, s31;
	s1 =	sadd.s32 s1, s30  }
0xba: {  	s0 =	sor.u32 s3, s0;
	s1 =	sshll.u32 s1, $0x11  }
0xbb: {  	s0 =	sor.u32 s1, s0  }
0xbc: {  	s0 =	sadd.s32 $0x8F2B, s0  }
0xbd: {  	[sflag:s0] =	ssyncadd.remote.s32 $0x1  }
0xbe: {  	_ =	sfence.sel $0xFFFF  }
0xbf: {  	[dreg:$0x0] =	wrdreg $0xFFFFFFFF;
	(pc) =	sbr.abs _section_cstart, $3  }
0xc0: {  	[dreg:$0x1] =	wrdreg $0xFFFFFFFF  }
0xc1: {  	_ =	task.clear_ibuf [dreg:s7], $0x2FFFF;
	_ =	strace $0x9FFFFFFF  }
0xc2: {  	(tm) =	ssettm $0x7FFFFFFF  }
0xc3: {  	_ =	shalt  }
tec
execute0_lowered:
.L_overlay_start_1:
0x0: {  	(tag) =	ssettag $0x1  }
0x1: {  	s0 =	srdreg.scid;
	s1 =	rddreg [dreg:$0x0]  }
0x2: {  	s2 =	stileid.u32;
	s5 =	rddreg [dreg:$0x1];
	s9 =	simm.s32 $0x2  }
0x3: {  	s10 =	simm.s32 $0x80;
	s11 =	simm.s32 $0x2800;
	s12 =	simm.s32 $0x4800  }
0x4: {  	s14 =	simm.s32 $0x6800;
	s16 =	simm.s32 $0x8800;
	s21 =	simm.s32 $0x2100  }
0x5: {  	s22 =	simm.s32 $0x2180;
	s23 =	simm.s32 $0x2200;
	s24 =	simm.s32 $0x2280  }
0x6: {  	s25 =	simm.s32 $0x2300;
	s28 =	simm.s32 $0x2400;
	s29 =	simm.s32 $0x2480  }
0x7: {  	s30 =	simm.s32 $0x2500;
	s31 =	simm.s32 $0x2580;
	s8 =	simm.s32 $0x2700  }
0x8: {  	s13 =	simm.s32 $0x2780;
	s15 =	simm.s32 $0x1;
	s17 =	simm.s32 $0x0  }
0x9: {  	s0 =	sand.u32 $0x1, s0;
	s3 =	sshll.u32 s2, $0xA;
	s2 =	simm.s32 $0x0  }
0xa: {  	s4 =	sshll.u32 s0, $0x9;
	[smem:$0x7FF] =	sst s2;
	s0 =	ssub.s32 $0x2, s0  }
0xb: {  	s4 =	sor.u32 s4, s3;
	_ =	strace $0x80000047;
	s7 =	sshrl.u32 s0, $0x1  }
0xc: {  	s3 =	sshrl.u32 s4, $0x3;
	s0 =	ssub.s32 s0, s7;
	s26 =	sshll.u32 s4, $0x3  }
0xd: {  	s7 =	simm.s32 $0x200;
	s6 =	sadd.s32 s3, s1;
	s3 =	sadd.s32 $0x187000, s1  }
0xe: {  	s5 =	sadd.s32 s5, s26;
	s26 =	simm.s32 $0x2380;
	s1 =	simm.s32 $0x2600  }
0xf: {  	v0 =	vimm.f32 $0.0e+00;
	s4 =	sadd.s32 $0x600, s6;
	s6 =	smax.u32 s0, $0x1;
	s0 =	simm.s32 $0x2680  }
.LBB2_1:
0x10: {  	s18 =	simm.s32 $0x4000  }
0x11: {  	[tilespmem:s2], [sflag:$0x2] =	stream.strided.gather [hbm4b:s4+s7], $0x2800, s18, s7, $0x38;
	[tilespmem:$0xA800] =	vst v63  }
0x12: {  	_ =	swait.ge [sflag:s9], $0x2800  }
0x13: {  	[sflag:s9] =	ssyncset.done $0x0  }
0x14: {  	s19 =	simm.s32 $0x100;
	s18 =	simm.s32 $0x0;
	[sflag:s9] =	ssyncadd.s32 $0xFFFFD800  }
.LBB2_2:
0x15: {  	p0 =	sne.s32 s19, $0x1FF00;
	[tilespmem:s18+$0x2830] =	vst v0;
	s20 =	smov.u32 s19;
	s19 =	sadd.s32 $0x100, s19  }
.Ltmp0:
0x16: {  	[tilespmem:s18+$0x2820] =	vst v0;
	(pc) =	sbr.rel @p0 .LBB2_2-.Ltmp0, $3  }
0x17: {  	[tilespmem:s18+$0x2800] =	vst v0  }
0x18: {  	[tilespmem:s18+$0x2810] =	vst v0;
	_ =	sdelay $0x1  }
0x19: {  	s18 =	sshra.s32 s20, $0x2  }
0x1a: {  	[tilespmem:s18+$0x2830] =	vst v0  }
0x1b: {  	[tilespmem:s18+$0x2820] =	vst v0  }
0x1c: {  	[tilespmem:s18+$0x2800] =	vst v0  }
0x1d: {  	[tilespmem:s18+$0x2810] =	vst v0  }
0x1e: {  	[tilespmem:s11], [sflag:$0x1] =	stream.indirect.gather.add.f32 [hbm:s3], $0x40, s2, s10, $0xb8;
	[tilespmem:$0xA800] =	vst v63  }
0x1f: {  	_ = 	snop  }
0x20: {  	[tilespmem:s12], [sflag:$0x1] =	stream.indirect.gather.add.f32 [hbm:s3], $0x40, s10, s10, $0xb8;
	[tilespmem:$0xA800] =	vst v63  }
0x21: {  	s20 =	simm.s32 $0x100  }
0x22: {  	[tilespmem:s14], [sflag:$0x1] =	stream.indirect.gather.add.f32 [hbm:s3], $0x40, s20, s10, $0xb8;
	[tilespmem:$0xA800] =	vst v63  }
0x23: {  	s19 =	simm.s32 $0x180  }
0x24: {  	[tilespmem:s16], [sflag:$0x1] =	stream.indirect.gather.add.f32 [hbm:s3], $0x40, s19, s10, $0xb8;
	[tilespmem:$0xA800] =	vst v63  }
0x25: {  	_ = 	snop  }
0x26: {  	[tilespmem:s11], [sflag:$0x1] =	stream.indirect.gather.add.f32 [hbm:s3], $0x40, s7, s10, $0xb8;
	[tilespmem:$0xA800] =	vst v63  }
0x27: {  	s20 =	simm.s32 $0x280  }
0x28: {  	[tilespmem:s12], [sflag:$0x1] =	stream.indirect.gather.add.f32 [hbm:s3], $0x40, s20, s10, $0xb8;
	[tilespmem:$0xA800] =	vst v63  }
0x29: {  	s19 =	simm.s32 $0x300  }
0x2a: {  	[tilespmem:s14], [sflag:$0x1] =	stream.indirect.gather.add.f32 [hbm:s3], $0x40, s19, s10, $0xb8;
	[tilespmem:$0xA800] =	vst v63  }
0x2b: {  	s20 =	simm.s32 $0x380  }
0x2c: {  	[tilespmem:s16], [sflag:$0x1] =	stream.indirect.gather.add.f32 [hbm:s3], $0x40, s20, s10, $0xb8;
	[tilespmem:$0xA800] =	vst v63  }
0x2d: {  	s19 =	simm.s32 $0x400  }
0x2e: {  	[tilespmem:s11], [sflag:$0x1] =	stream.indirect.gather.add.f32 [hbm:s3], $0x40, s19, s10, $0xb8;
	[tilespmem:$0xA800] =	vst v63  }
0x2f: {  	s20 =	simm.s32 $0x480  }
0x30: {  	[tilespmem:s12], [sflag:$0x1] =	stream.indirect.gather.add.f32 [hbm:s3], $0x40, s20, s10, $0xb8;
	[tilespmem:$0xA800] =	vst v63  }
0x31: {  	s19 =	simm.s32 $0x500  }
0x32: {  	[tilespmem:s14], [sflag:$0x1] =	stream.indirect.gather.add.f32 [hbm:s3], $0x40, s19, s10, $0xb8;
	[tilespmem:$0xA800] =	vst v63  }
0x33: {  	s20 =	simm.s32 $0x580  }
0x34: {  	[tilespmem:s16], [sflag:$0x1] =	stream.indirect.gather.add.f32 [hbm:s3], $0x40, s20, s10, $0xb8;
	[tilespmem:$0xA800] =	vst v63  }
0x35: {  	s19 =	simm.s32 $0x600  }
0x36: {  	[tilespmem:s11], [sflag:$0x1] =	stream.indirect.gather.add.f32 [hbm:s3], $0x40, s19, s10, $0xb8;
	[tilespmem:$0xA800] =	vst v63  }
0x37: {  	s20 =	simm.s32 $0x680  }
0x38: {  	[tilespmem:s12], [sflag:$0x1] =	stream.indirect.gather.add.f32 [hbm:s3], $0x40, s20, s10, $0xb8;
	[tilespmem:$0xA800] =	vst v63  }
0x39: {  	s19 =	simm.s32 $0x700  }
0x3a: {  	[tilespmem:s14], [sflag:$0x1] =	stream.indirect.gather.add.f32 [hbm:s3], $0x40, s19, s10, $0xb8;
	[tilespmem:$0xA800] =	vst v63  }
0x3b: {  	s20 =	simm.s32 $0x780  }
0x3c: {  	[tilespmem:s16], [sflag:$0x1] =	stream.indirect.gather.add.f32 [hbm:s3], $0x40, s20, s10, $0xb8;
	[tilespmem:$0xA800] =	vst v63  }
0x3d: {  	s19 =	simm.s32 $0x800  }
0x3e: {  	[tilespmem:s11], [sflag:$0x1] =	stream.indirect.gather.add.f32 [hbm:s3], $0x40, s19, s10, $0xb8;
	[tilespmem:$0xA800] =	vst v63  }
0x3f: {  	s20 =	simm.s32 $0x880  }
0x40: {  	[tilespmem:s12], [sflag:$0x1] =	stream.indirect.gather.add.f32 [hbm:s3], $0x40, s20, s10, $0xb8;
	[tilespmem:$0xA800] =	vst v63  }
0x41: {  	s19 =	simm.s32 $0x900  }
0x42: {  	[tilespmem:s14], [sflag:$0x1] =	stream.indirect.gather.add.f32 [hbm:s3], $0x40, s19, s10, $0xb8;
	[tilespmem:$0xA800] =	vst v63  }
0x43: {  	s20 =	simm.s32 $0x980  }
0x44: {  	[tilespmem:s16], [sflag:$0x1] =	stream.indirect.gather.add.f32 [hbm:s3], $0x40, s20, s10, $0xb8;
	[tilespmem:$0xA800] =	vst v63  }
0x45: {  	s19 =	simm.s32 $0xA00  }
0x46: {  	[tilespmem:s11], [sflag:$0x1] =	stream.indirect.gather.add.f32 [hbm:s3], $0x40, s19, s10, $0xb8;
	[tilespmem:$0xA800] =	vst v63  }
0x47: {  	s20 =	simm.s32 $0xA80  }
0x48: {  	[tilespmem:s12], [sflag:$0x1] =	stream.indirect.gather.add.f32 [hbm:s3], $0x40, s20, s10, $0xb8;
	[tilespmem:$0xA800] =	vst v63  }
0x49: {  	s19 =	simm.s32 $0xB00  }
0x4a: {  	[tilespmem:s14], [sflag:$0x1] =	stream.indirect.gather.add.f32 [hbm:s3], $0x40, s19, s10, $0xb8;
	[tilespmem:$0xA800] =	vst v63  }
0x4b: {  	s20 =	simm.s32 $0xB80  }
0x4c: {  	[tilespmem:s16], [sflag:$0x1] =	stream.indirect.gather.add.f32 [hbm:s3], $0x40, s20, s10, $0xb8;
	[tilespmem:$0xA800] =	vst v63  }
0x4d: {  	s19 =	simm.s32 $0xC00  }
0x4e: {  	[tilespmem:s11], [sflag:$0x1] =	stream.indirect.gather.add.f32 [hbm:s3], $0x40, s19, s10, $0xb8;
	[tilespmem:$0xA800] =	vst v63  }
0x4f: {  	s20 =	simm.s32 $0xC80  }
0x50: {  	[tilespmem:s12], [sflag:$0x1] =	stream.indirect.gather.add.f32 [hbm:s3], $0x40, s20, s10, $0xb8;
	[tilespmem:$0xA800] =	vst v63  }
0x51: {  	s19 =	simm.s32 $0xD00  }
0x52: {  	[tilespmem:s14], [sflag:$0x1] =	stream.indirect.gather.add.f32 [hbm:s3], $0x40, s19, s10, $0xb8;
	[tilespmem:$0xA800] =	vst v63  }
0x53: {  	s20 =	simm.s32 $0xD80  }
0x54: {  	[tilespmem:s16], [sflag:$0x1] =	stream.indirect.gather.add.f32 [hbm:s3], $0x40, s20, s10, $0xb8;
	[tilespmem:$0xA800] =	vst v63  }
0x55: {  	s19 =	simm.s32 $0xE00  }
0x56: {  	[tilespmem:s11], [sflag:$0x1] =	stream.indirect.gather.add.f32 [hbm:s3], $0x40, s19, s10, $0xb8;
	[tilespmem:$0xA800] =	vst v63  }
0x57: {  	s20 =	simm.s32 $0xE80  }
0x58: {  	[tilespmem:s12], [sflag:$0x1] =	stream.indirect.gather.add.f32 [hbm:s3], $0x40, s20, s10, $0xb8;
	[tilespmem:$0xA800] =	vst v63  }
0x59: {  	s19 =	simm.s32 $0xF00  }
0x5a: {  	[tilespmem:s14], [sflag:$0x1] =	stream.indirect.gather.add.f32 [hbm:s3], $0x40, s19, s10, $0xb8;
	[tilespmem:$0xA800] =	vst v63  }
0x5b: {  	s20 =	simm.s32 $0xF80  }
0x5c: {  	[tilespmem:s16], [sflag:$0x1] =	stream.indirect.gather.add.f32 [hbm:s3], $0x40, s20, s10, $0xb8;
	[tilespmem:$0xA800] =	vst v63  }
0x5d: {  	s19 =	simm.s32 $0x1000  }
0x5e: {  	[tilespmem:s11], [sflag:$0x1] =	stream.indirect.gather.add.f32 [hbm:s3], $0x40, s19, s10, $0xb8;
	[tilespmem:$0xA800] =	vst v63  }
0x5f: {  	s20 =	simm.s32 $0x1080  }
0x60: {  	[tilespmem:s12], [sflag:$0x1] =	stream.indirect.gather.add.f32 [hbm:s3], $0x40, s20, s10, $0xb8;
	[tilespmem:$0xA800] =	vst v63  }
0x61: {  	s19 =	simm.s32 $0x1100  }
0x62: {  	[tilespmem:s14], [sflag:$0x1] =	stream.indirect.gather.add.f32 [hbm:s3], $0x40, s19, s10, $0xb8;
	[tilespmem:$0xA800] =	vst v63  }
0x63: {  	s20 =	simm.s32 $0x1180  }
0x64: {  	[tilespmem:s16], [sflag:$0x1] =	stream.indirect.gather.add.f32 [hbm:s3], $0x40, s20, s10, $0xb8;
	[tilespmem:$0xA800] =	vst v63  }
0x65: {  	s19 =	simm.s32 $0x1200  }
0x66: {  	[tilespmem:s11], [sflag:$0x1] =	stream.indirect.gather.add.f32 [hbm:s3], $0x40, s19, s10, $0xb8;
	[tilespmem:$0xA800] =	vst v63  }
0x67: {  	s20 =	simm.s32 $0x1280  }
0x68: {  	[tilespmem:s12], [sflag:$0x1] =	stream.indirect.gather.add.f32 [hbm:s3], $0x40, s20, s10, $0xb8;
	[tilespmem:$0xA800] =	vst v63  }
0x69: {  	s19 =	simm.s32 $0x1300  }
0x6a: {  	[tilespmem:s14], [sflag:$0x1] =	stream.indirect.gather.add.f32 [hbm:s3], $0x40, s19, s10, $0xb8;
	[tilespmem:$0xA800] =	vst v63  }
0x6b: {  	s20 =	simm.s32 $0x1380  }
0x6c: {  	[tilespmem:s16], [sflag:$0x1] =	stream.indirect.gather.add.f32 [hbm:s3], $0x40, s20, s10, $0xb8;
	[tilespmem:$0xA800] =	vst v63  }
0x6d: {  	s19 =	simm.s32 $0x1400  }
0x6e: {  	[tilespmem:s11], [sflag:$0x1] =	stream.indirect.gather.add.f32 [hbm:s3], $0x40, s19, s10, $0xb8;
	[tilespmem:$0xA800] =	vst v63  }
0x6f: {  	s20 =	simm.s32 $0x1480  }
0x70: {  	[tilespmem:s12], [sflag:$0x1] =	stream.indirect.gather.add.f32 [hbm:s3], $0x40, s20, s10, $0xb8;
	[tilespmem:$0xA800] =	vst v63  }
0x71: {  	s19 =	simm.s32 $0x1500  }
0x72: {  	[tilespmem:s14], [sflag:$0x1] =	stream.indirect.gather.add.f32 [hbm:s3], $0x40, s19, s10, $0xb8;
	[tilespmem:$0xA800] =	vst v63  }
0x73: {  	s20 =	simm.s32 $0x1580  }
0x74: {  	[tilespmem:s16], [sflag:$0x1] =	stream.indirect.gather.add.f32 [hbm:s3], $0x40, s20, s10, $0xb8;
	[tilespmem:$0xA800] =	vst v63  }
0x75: {  	s19 =	simm.s32 $0x1600  }
0x76: {  	[tilespmem:s11], [sflag:$0x1] =	stream.indirect.gather.add.f32 [hbm:s3], $0x40, s19, s10, $0xb8;
	[tilespmem:$0xA800] =	vst v63  }
0x77: {  	s20 =	simm.s32 $0x1680  }
0x78: {  	[tilespmem:s12], [sflag:$0x1] =	stream.indirect.gather.add.f32 [hbm:s3], $0x40, s20, s10, $0xb8;
	[tilespmem:$0xA800] =	vst v63  }
0x79: {  	s19 =	simm.s32 $0x1700  }
0x7a: {  	[tilespmem:s14], [sflag:$0x1] =	stream.indirect.gather.add.f32 [hbm:s3], $0x40, s19, s10, $0xb8;
	[tilespmem:$0xA800] =	vst v63  }
0x7b: {  	s20 =	simm.s32 $0x1780  }
0x7c: {  	[tilespmem:s16], [sflag:$0x1] =	stream.indirect.gather.add.f32 [hbm:s3], $0x40, s20, s10, $0xb8;
	[tilespmem:$0xA800] =	vst v63  }
0x7d: {  	s19 =	simm.s32 $0x1800  }
0x7e: {  	[tilespmem:s11], [sflag:$0x1] =	stream.indirect.gather.add.f32 [hbm:s3], $0x40, s19, s10, $0xb8;
	[tilespmem:$0xA800] =	vst v63  }
0x7f: {  	s20 =	simm.s32 $0x1880  }
0x80: {  	[tilespmem:s12], [sflag:$0x1] =	stream.indirect.gather.add.f32 [hbm:s3], $0x40, s20, s10, $0xb8;
	[tilespmem:$0xA800] =	vst v63  }
0x81: {  	s19 =	simm.s32 $0x1900  }
0x82: {  	[tilespmem:s14], [sflag:$0x1] =	stream.indirect.gather.add.f32 [hbm:s3], $0x40, s19, s10, $0xb8;
	[tilespmem:$0xA800] =	vst v63  }
0x83: {  	s20 =	simm.s32 $0x1980  }
0x84: {  	[tilespmem:s16], [sflag:$0x1] =	stream.indirect.gather.add.f32 [hbm:s3], $0x40, s20, s10, $0xb8;
	[tilespmem:$0xA800] =	vst v63  }
0x85: {  	s19 =	simm.s32 $0x1A00  }
0x86: {  	[tilespmem:s11], [sflag:$0x1] =	stream.indirect.gather.add.f32 [hbm:s3], $0x40, s19, s10, $0xb8;
	[tilespmem:$0xA800] =	vst v63  }
0x87: {  	s20 =	simm.s32 $0x1A80  }
0x88: {  	[tilespmem:s12], [sflag:$0x1] =	stream.indirect.gather.add.f32 [hbm:s3], $0x40, s20, s10, $0xb8;
	[tilespmem:$0xA800] =	vst v63  }
0x89: {  	s19 =	simm.s32 $0x1B00  }
0x8a: {  	[tilespmem:s14], [sflag:$0x1] =	stream.indirect.gather.add.f32 [hbm:s3], $0x40, s19, s10, $0xb8;
	[tilespmem:$0xA800] =	vst v63  }
0x8b: {  	s20 =	simm.s32 $0x1B80  }
0x8c: {  	[tilespmem:s16], [sflag:$0x1] =	stream.indirect.gather.add.f32 [hbm:s3], $0x40, s20, s10, $0xb8;
	[tilespmem:$0xA800] =	vst v63  }
0x8d: {  	s19 =	simm.s32 $0x1C00  }
0x8e: {  	[tilespmem:s11], [sflag:$0x1] =	stream.indirect.gather.add.f32 [hbm:s3], $0x40, s19, s10, $0xb8;
	[tilespmem:$0xA800] =	vst v63  }
0x8f: {  	s20 =	simm.s32 $0x1C80  }
0x90: {  	[tilespmem:s12], [sflag:$0x1] =	stream.indirect.gather.add.f32 [hbm:s3], $0x40, s20, s10, $0xb8;
	[tilespmem:$0xA800] =	vst v63  }
0x91: {  	s19 =	simm.s32 $0x1D00  }
0x92: {  	[tilespmem:s14], [sflag:$0x1] =	stream.indirect.gather.add.f32 [hbm:s3], $0x40, s19, s10, $0xb8;
	[tilespmem:$0xA800] =	vst v63  }
0x93: {  	s20 =	simm.s32 $0x1D80  }
0x94: {  	[tilespmem:s16], [sflag:$0x1] =	stream.indirect.gather.add.f32 [hbm:s3], $0x40, s20, s10, $0xb8;
	[tilespmem:$0xA800] =	vst v63  }
0x95: {  	s19 =	simm.s32 $0x1E00  }
0x96: {  	[tilespmem:s11], [sflag:$0x1] =	stream.indirect.gather.add.f32 [hbm:s3], $0x40, s19, s10, $0xb8;
	[tilespmem:$0xA800] =	vst v63  }
0x97: {  	s20 =	simm.s32 $0x1E80  }
0x98: {  	[tilespmem:s12], [sflag:$0x1] =	stream.indirect.gather.add.f32 [hbm:s3], $0x40, s20, s10, $0xb8;
	[tilespmem:$0xA800] =	vst v63  }
0x99: {  	s19 =	simm.s32 $0x1F00  }
0x9a: {  	[tilespmem:s14], [sflag:$0x1] =	stream.indirect.gather.add.f32 [hbm:s3], $0x40, s19, s10, $0xb8;
	[tilespmem:$0xA800] =	vst v63  }
0x9b: {  	s20 =	simm.s32 $0x1F80  }
0x9c: {  	[tilespmem:s16], [sflag:$0x1] =	stream.indirect.gather.add.f32 [hbm:s3], $0x40, s20, s10, $0xb8;
	[tilespmem:$0xA800] =	vst v63  }
0x9d: {  	s19 =	simm.s32 $0x2000  }
0x9e: {  	[tilespmem:s11], [sflag:$0x1] =	stream.indirect.gather.add.f32 [hbm:s3], $0x40, s19, s10, $0xb8;
	[tilespmem:$0xA800] =	vst v63  }
0x9f: {  	s20 =	simm.s32 $0x2080  }
0xa0: {  	[tilespmem:s12], [sflag:$0x1] =	stream.indirect.gather.add.f32 [hbm:s3], $0x40, s20, s10, $0xb8;
	[tilespmem:$0xA800] =	vst v63  }
0xa1: {  	_ = 	snop  }
0xa2: {  	[tilespmem:s14], [sflag:$0x1] =	stream.indirect.gather.add.f32 [hbm:s3], $0x40, s21, s10, $0xb8;
	[tilespmem:$0xA800] =	vst v63  }
0xa3: {  	_ = 	snop  }
0xa4: {  	[tilespmem:s16], [sflag:$0x1] =	stream.indirect.gather.add.f32 [hbm:s3], $0x40, s22, s10, $0xb8;
	[tilespmem:$0xA800] =	vst v63  }
0xa5: {  	_ = 	snop  }
0xa6: {  	[tilespmem:s11], [sflag:$0x1] =	stream.indirect.gather.add.f32 [hbm:s3], $0x40, s23, s10, $0xb8;
	[tilespmem:$0xA800] =	vst v63  }
0xa7: {  	_ = 	snop  }
0xa8: {  	[tilespmem:s12], [sflag:$0x1] =	stream.indirect.gather.add.f32 [hbm:s3], $0x40, s24, s10, $0xb8;
	[tilespmem:$0xA800] =	vst v63  }
0xa9: {  	_ = 	snop  }
0xaa: {  	[tilespmem:s14], [sflag:$0x1] =	stream.indirect.gather.add.f32 [hbm:s3], $0x40, s25, s10, $0xb8;
	[tilespmem:$0xA800] =	vst v63  }
0xab: {  	_ = 	snop  }
0xac: {  	[tilespmem:s16], [sflag:$0x1] =	stream.indirect.gather.add.f32 [hbm:s3], $0x40, s26, s10, $0xb8;
	[tilespmem:$0xA800] =	vst v63  }
0xad: {  	_ = 	snop  }
0xae: {  	[tilespmem:s11], [sflag:$0x1] =	stream.indirect.gather.add.f32 [hbm:s3], $0x40, s28, s10, $0xb8;
	[tilespmem:$0xA800] =	vst v63  }
0xaf: {  	_ = 	snop  }
0xb0: {  	[tilespmem:s12], [sflag:$0x1] =	stream.indirect.gather.add.f32 [hbm:s3], $0x40, s29, s10, $0xb8;
	[tilespmem:$0xA800] =	vst v63  }
0xb1: {  	_ = 	snop  }
0xb2: {  	[tilespmem:s14], [sflag:$0x1] =	stream.indirect.gather.add.f32 [hbm:s3], $0x40, s30, s10, $0xb8;
	[tilespmem:$0xA800] =	vst v63  }
0xb3: {  	_ = 	snop  }
0xb4: {  	[tilespmem:s16], [sflag:$0x1] =	stream.indirect.gather.add.f32 [hbm:s3], $0x40, s31, s10, $0xb8;
	[tilespmem:$0xA800] =	vst v63  }
0xb5: {  	_ = 	snop  }
0xb6: {  	[tilespmem:s11], [sflag:$0x1] =	stream.indirect.gather.add.f32 [hbm:s3], $0x40, s1, s10, $0xb8;
	[tilespmem:$0xA800] =	vst v63  }
0xb7: {  	_ = 	snop  }
0xb8: {  	[tilespmem:s12], [sflag:$0x1] =	stream.indirect.gather.add.f32 [hbm:s3], $0x40, s0, s10, $0xb8;
	[tilespmem:$0xA800] =	vst v63  }
0xb9: {  	_ = 	snop  }
0xba: {  	[tilespmem:s14], [sflag:$0x1] =	stream.indirect.gather.add.f32 [hbm:s3], $0x40, s8, s10, $0xb8;
	[tilespmem:$0xA800] =	vst v63  }
0xbb: {  	_ = 	snop  }
0xbc: {  	[tilespmem:s16], [sflag:$0x1] =	stream.indirect.gather.add.f32 [hbm:s3], $0x40, s13, s10, $0xb8;
	[tilespmem:$0xA800] =	vst v63  }
0xbd: {  	_ =	swait.ge [sflag:s15], $0x2000  }
0xbe: {  	[sflag:s15] =	ssyncset.done $0x0  }
0xbf: {  	[sflag:s15] =	ssyncadd.s32 $0xFFFFE000  }
0xc0: {  	_ =	swait.ge [sflag:s15], $0x2000  }
0xc1: {  	[sflag:s15] =	ssyncset.done $0x0  }
0xc2: {  	[sflag:s15] =	ssyncadd.s32 $0xFFFFE000  }
0xc3: {  	_ =	swait.ge [sflag:s15], $0x2000  }
0xc4: {  	[sflag:s15] =	ssyncset.done $0x0  }
0xc5: {  	[sflag:s15] =	ssyncadd.s32 $0xFFFFE000  }
0xc6: {  	_ =	swait.ge [sflag:s15], $0x2000  }
0xc7: {  	s18 =	simm.s32 $0x13;
	[sflag:s15] =	ssyncset.done $0x0  }
.LBB2_4:
0xc8: {  	p0 =	sne.s32 s18, $0x1;
	s18 =	sadd.s32 $0xFFFFFFFF, s18;
	[sflag:s15] =	ssyncadd.s32 $0xFFFFE000  }
0xc9: {  	_ =	swait.ge [sflag:s15], $0x2000  }
0xca: {  	[sflag:s15] =	ssyncset.done $0x0  }
0xcb: {  	[sflag:s15] =	ssyncadd.s32 $0xFFFFE000  }
0xcc: {  	_ =	swait.ge [sflag:s15], $0x2000  }
0xcd: {  	[sflag:s15] =	ssyncset.done $0x0  }
0xce: {  	[sflag:s15] =	ssyncadd.s32 $0xFFFFE000  }
.Ltmp1:
0xcf: {  	_ =	swait.ge [sflag:s15], $0x2000;
	(pc) =	sbr.rel @p0 .LBB2_4-.Ltmp1, $4  }
0xd0: {  	[sflag:s15] =	ssyncset.done $0x0  }
0xd1: {  	[sflag:s15] =	ssyncadd.s32 $0xFFFFE000  }
0xd2: {  	_ =	swait.ge [sflag:s15], $0x2000  }
0xd3: {  	[sflag:s15] =	ssyncset.done $0x0  }
0xd4: {  	[sflag:s15] =	ssyncadd.s32 $0xFFFFE000;
	s18 =	simm.s32 $0x0  }
0xd5: {  	v1 =	vld [tilespmem:s18+$0x2800]  }
0xd6: {  	v3 =	vld [tilespmem:s18+$0x2810]  }
0xd7: {  	s19 =	simm.s32 $0x100;
	v2 =	vld [tilespmem:s18+$0x2820]  }
.LBB2_6:
0xd8: {  	p0 =	sne.s32 s19, $0x1FF00;
	v4 =	vld [tilespmem:s18+$0x2830];
	_ =	sdelay $0x1  }
0xd9: {  	v1 =	vmul.f32 $5.000000070e-02, v1  }
.Ltmp2:
0xda: {  	v3 =	vmul.f32 $5.000000070e-02, v3;
	(pc) =	sbr.rel @p0 .LBB2_6-.Ltmp2, $4  }
0xdb: {  	s20 =	sshra.s32 s19, $0x2;
	[tilespmem:s18+$0x2800] =	vst v1;
	v2 =	vmul.f32 $5.000000070e-02, v2  }
0xdc: {  	v1 =	vld [tilespmem:s20+$0x2800];
	[tilespmem:s18+$0x2810] =	vst v3;
	v4 =	vmul.f32 $5.000000070e-02, v4  }
0xdd: {  	v3 =	vld [tilespmem:s20+$0x2810];
	[tilespmem:s18+$0x2820] =	vst v2  }
0xde: {  	s19 =	sadd.s32 $0x100, s19;
	v2 =	vld [tilespmem:s20+$0x2820];
	[tilespmem:s18+$0x2830] =	vst v4;
	s18 =	smov.u32 s20  }
0xdf: {  	v4 =	vld [tilespmem:s18+$0x2830];
	_ =	sdelay $0x1  }
0xe0: {  	v1 =	vmul.f32 $5.000000070e-02, v1  }
0xe1: {  	v3 =	vmul.f32 $5.000000070e-02, v3  }
0xe2: {  	[tilespmem:s18+$0x2800] =	vst v1;
	v1 =	vmul.f32 $5.000000070e-02, v2  }
0xe3: {  	s17 =	sadd.s32 $0x1, s17;
	[tilespmem:s18+$0x2810] =	vst v3;
	v2 =	vmul.f32 $5.000000070e-02, v4  }
0xe4: {  	p0 =	sne.s32 s17, s6;
	[tilespmem:s18+$0x2820] =	vst v1  }
.Ltmp3:
0xe5: {  	[tilespmem:s18+$0x2830] =	vst v2;
	(pc) =	sbr.rel @p0 .LBB2_1-.Ltmp3, $4  }
0xe6: {  	[hbm4b:s5+s2] =	stream.linear.scatter [tilespmem:s11], [sflag:$0x2], $0x8000, $0x38;
	[tilespmem:$0xA800] =	vst v63  }
0xe7: {  	_ =	swait.ge [sflag:s9], $0x8000  }
0xe8: {  	[sflag:s9] =	ssyncset.done $0x0  }
0xe9: {  	[sflag:s9] =	ssyncadd.s32 $0xFFFF8000  }
0xea: {  	_ =	sfence.sel $0x180000  }
0xeb: {  	[bflag:$0x0] =	sbarrier.arrive $0xFFFF  }
0xec: {  	_ =	strace $0x90000047  }
0xed: {  	s0 =	stileid.u32;
	[bflag:$0x2] =	sbarrier.arrive $0xFFFF  }
0xee: {  	p0 =	sne.s32 s0, $0x0;
	s0 =	rddreg [dreg:$0x2]  }
0xef: {  	s0 =	sadd.s32 @!p0 $0x100000, s0  }
0xf0: {  	[sflag:s0] =	ssyncadd.tile.s32 @!p0 $0x1;
	_ =	shalt  }
.Lfunc_end2:
_tile_overlayer_lowered:
.L_overlay_start_2:
0xf1: {  	(tag) =	ssettag $0x2  }
0xf2: {  	s0 =	rddreg [dreg:$0x0];
	s2 =	stileid.u32  }
0xf3: {  	s1 =	rddreg [dreg:$0x1];
	p0 =	sne.s32 s2, $0x0  }
0xf4: {  	s3 =	rddreg [dreg:$0x2];
	[bflag:$0x3] =	sbarrier.arrive $0xFFFF;
	s2 =	simm.s32 @!p0 $0x1C02  }
0xf5: {  	[timem:s3], [sflag:s2] =	dma.local @!p0 [hbm:s0], s1  }
0xf6: {  	s0 =	simm.s32 @!p0 $0x2  }
0xf7: {  	_ =	swait.ge @!p0 [sflag:s0], s1  }
0xf8: {  	s1 =	ssub.s32 @!p0 $0x0, s1;
	[sflag:s0] =	ssyncset.done @!p0 $0x0  }
0xf9: {  	[sflag:s0] =	ssyncadd.s32 @!p0 s1  }
0xfa: {  	[bflag:$0x3] =	sbarrier.arrive $0xFFFF  }
0xfb: {  	_ =	shalt  }

</sc_bundles>
